<compile_context>
chip_gen: v7x
topology: tpu7x:2x2x1
jax: 0.10.2.dev20260603
libtpu: 0.0.44.dev20260713+nightly
codegen_flags: <defaults>
</compile_context>

<pallas_src>
import functools

import jax
import jax.numpy as jnp
from jax import lax
from jax.experimental import pallas as pl
from jax.experimental.pallas import tpu as pltpu
from jax.experimental.pallas import tpu_sc as plsc

N_NODES = 10000
D_FEAT = 128
D_COUNT = 16
D_IN = 2 * D_FEAT + 2 * D_COUNT
D_X = D_FEAT + D_COUNT
WIDE = D_X
OUT = 128

NC, NS = 2, 16
NW = NC * NS
CHUNK = 40
NCH = 250
NPAD = 10240
ZROWS = 8


def _mm_body(na_ref, sc_ref, w_ref, o1_ref, o2_ref):
    x = jnp.concatenate([na_ref[...], sc_ref[...]], axis=1)
    w = w_ref[...]
    wsrc = jnp.concatenate([w[0:D_FEAT], w[2 * D_FEAT:2 * D_FEAT + D_COUNT]],
                           axis=0)
    wdst = jnp.concatenate([w[D_FEAT:2 * D_FEAT], w[2 * D_FEAT + D_COUNT:]],
                           axis=0)
    y = jnp.dot(x, jnp.concatenate([wsrc, wdst], axis=1),
                preferred_element_type=jnp.float32)
    r = x.shape[0]
    col = lax.broadcasted_iota(jnp.int32, (r, D_COUNT), 1)
    ones_col = jnp.where(col == 0, 1.0, 0.0).astype(jnp.float32)
    o1_ref[...] = jnp.concatenate([y[:, :OUT], ones_col], axis=1)
    o2_ref[...] = y[:, OUT:]


def _matmul_pre(node_attr, sub_counting, weight):
    n = node_attr.shape[0]
    r = 2000
    return pl.pallas_call(
        _mm_body,
        grid=(n // r,),
        in_specs=[
            pl.BlockSpec((r, D_FEAT), lambda i: (i, 0)),
            pl.BlockSpec((r, D_COUNT), lambda i: (i, 0)),
            pl.BlockSpec((D_IN, OUT), lambda i: (0, 0)),
        ],
        out_specs=[
            pl.BlockSpec((r, WIDE), lambda i: (i, 0)),
            pl.BlockSpec((r, OUT), lambda i: (i, 0)),
        ],
        out_shape=[
            jax.ShapeDtypeStruct((n, WIDE), jnp.float32),
            jax.ShapeDtypeStruct((n, OUT), jnp.float32),
        ],
    )(node_attr, sub_counting, weight)


def _sc_body(ysrc_hbm, eidx_hbm, out_hbm,
             sidx, didx, rows0, rows1, zbuf, acc, sem_a, sem_b):
    c = lax.axis_index("c")
    s = lax.axis_index("s")
    wid = s * NC + c

    ld_s = pltpu.async_copy(eidx_hbm.at[0, wid], sidx, sem_a)
    ld_d = pltpu.async_copy(eidx_hbm.at[1, wid], didx, sem_b)

    def zfill(rr, carry):
        for j in range(WIDE // 16):
            zbuf[rr, pl.ds(j * 16, 16)] = jnp.zeros((16,), jnp.float32)
        return carry
    lax.fori_loop(0, ZROWS, zfill, 0)
    rps = NPAD // NS
    def zcopy(k, carry):
        pltpu.sync_copy(zbuf, acc.at[pl.ds(s * rps + k * ZROWS, ZROWS)])
        return carry
    lax.fori_loop(0, rps // ZROWS, zcopy, 0)
    ld_s.wait()
    ld_d.wait()
    plsc.subcore_barrier()

    pltpu.async_copy(ysrc_hbm.at[sidx.at[0]], rows0, sem_a)
    pltpu.async_copy(ysrc_hbm.at[sidx.at[1]], rows1, sem_b)

    def body2(j, carry):
        i = 2 * j
        pltpu.make_async_copy(ysrc_hbm.at[sidx.at[i]], rows0, sem_a).wait()
        pltpu.sync_copy(rows0, acc.at[didx.at[i]], add=True)
        pltpu.async_copy(ysrc_hbm.at[sidx.at[i + 2]], rows0, sem_a)
        pltpu.make_async_copy(ysrc_hbm.at[sidx.at[i + 1]], rows1, sem_b).wait()
        pltpu.sync_copy(rows1, acc.at[didx.at[i + 1]], add=True)
        pltpu.async_copy(ysrc_hbm.at[sidx.at[i + 3]], rows1, sem_b)
        return carry
    lax.fori_loop(0, NCH // 2 - 1, body2, 0)

    i = NCH - 2
    pltpu.make_async_copy(ysrc_hbm.at[sidx.at[i]], rows0, sem_a).wait()
    pltpu.sync_copy(rows0, acc.at[didx.at[i]], add=True)
    pltpu.make_async_copy(ysrc_hbm.at[sidx.at[i + 1]], rows1, sem_b).wait()
    pltpu.sync_copy(rows1, acc.at[didx.at[i + 1]], add=True)
    plsc.subcore_barrier()

    pltpu.sync_copy(acc.at[pl.ds(s * rps, rps)],
                    out_hbm.at[c, pl.ds(s * rps, rps)])


@functools.partial(jax.jit, static_argnames=())
def _sc_scatter(ysrc_wide, eidx):
    mesh = plsc.VectorSubcoreMesh(core_axis_name="c", subcore_axis_name="s")
    f = pl.kernel(
        _sc_body,
        out_type=jax.ShapeDtypeStruct((NC, NPAD, WIDE), jnp.float32),
        mesh=mesh,
        scratch_types=[
            pltpu.VMEM((NCH, CHUNK), jnp.int32),
            pltpu.VMEM((NCH, CHUNK), jnp.int32),
            pltpu.VMEM((CHUNK, WIDE), jnp.float32),
            pltpu.VMEM((CHUNK, WIDE), jnp.float32),
            pltpu.VMEM((ZROWS, WIDE), jnp.float32),
            pltpu.VMEM_SHARED((NPAD, WIDE), jnp.float32),
            pltpu.SemaphoreType.DMA,
            pltpu.SemaphoreType.DMA,
        ],
        compiler_params=pltpu.CompilerParams(use_tc_tiling_on_sc=False),
    )
    return f(ysrc_wide, eidx)


def _comb_body(p_ref, y_ref, b_ref, o_ref):
    p = p_ref[...]
    s = p[0] + p[1]
    agg = s[:, :OUT]
    deg = s[:, OUT:OUT + 1]
    r = (agg + deg * y_ref[...]) * lax.rsqrt(jnp.maximum(deg, 1.0))
    o_ref[...] = jnp.maximum(r + b_ref[...], 0.0)


def _combine(parts, ydst, bias2d):
    n = ydst.shape[0]
    r = 2000
    return pl.pallas_call(
        _comb_body,
        grid=(n // r,),
        in_specs=[
            pl.BlockSpec((NC, r, WIDE), lambda i: (0, i, 0)),
            pl.BlockSpec((r, OUT), lambda i: (i, 0)),
            pl.BlockSpec((1, OUT), lambda i: (0, 0)),
        ],
        out_specs=pl.BlockSpec((r, OUT), lambda i: (i, 0)),
        out_shape=jax.ShapeDtypeStruct((n, OUT), jnp.float32),
    )(parts, ydst, bias2d)


def kernel(node_attr, sub_counting, edge_index, weight, bias):
    eidx = edge_index.astype(jnp.int32).reshape(2, NW, NCH, CHUNK)
    ysrc_wide, ydst = _matmul_pre(node_attr, sub_counting, weight)
    parts = _sc_scatter(ysrc_wide, eidx)
    return _combine(parts, ydst, bias.reshape(1, OUT))

# --- scband reference (transcript-rebuilt; emitter-appended) ---
"""Pipeline reference for scband-gsnconv-11622181503637 (READ-ONLY COPY).

The authoritative reference and input builder live on the scoring server;
editing this copy changes nothing except your own understanding.
"""

import jax, jax.numpy as jnp
import numpy as np

N_NODES = 10000
N_EDGES = 320000
D_FEAT = 128
D_COUNT = 16
IN_SIZE = 2 * D_FEAT + 2 * D_COUNT  # 288
OUT_SIZE = 128


def setup_inputs(seed: int = 0) -> dict:
    key = jax.random.key(seed)
    k1, k2, k3, k4 = jax.random.split(key, 4)
    node_attr = jax.random.normal(k1, (N_NODES, D_FEAT), dtype=jnp.float32)
    sub_counting = jax.random.uniform(k2, (N_NODES, D_COUNT), dtype=jnp.float32)
    edge_index = jax.random.randint(k3, (2, N_EDGES), 0, N_NODES, dtype=jnp.int64)
    # xavier_uniform for weight [IN_SIZE, OUT_SIZE]
    a = float(np.sqrt(6.0 / (IN_SIZE + OUT_SIZE)))
    weight = jax.random.uniform(k4, (IN_SIZE, OUT_SIZE), dtype=jnp.float32, minval=-a, maxval=a)
    bias = jnp.zeros((OUT_SIZE,), dtype=jnp.float32)
    return {"node_attr": node_attr, "sub_counting": sub_counting, "edge_index": edge_index, "weight": weight, "bias": bias}


def reference(node_attr, sub_counting, edge_index, weight, bias):
    src = edge_index[0]
    dst = edge_index[1]
    # message: cat(src.h, dst.h, src.counting, dst.counting) per edge (no edge 'h')
    msg = jnp.concatenate(
        [
            jnp.take(node_attr, src, axis=0),
            jnp.take(node_attr, dst, axis=0),
            jnp.take(sub_counting, src, axis=0),
            jnp.take(sub_counting, dst, axis=0),
        ],
        axis=1,
    )
    # reduce: sum of mailbox per dst node
    agg = jax.ops.segment_sum(msg, dst, num_segments=N_NODES)
    rst = jnp.matmul(agg, weight)
    degs = jnp.bincount(dst, length=N_NODES).astype(rst.dtype)
    degs = jnp.clip(degs, 1.0)
    norm = jnp.power(degs, -0.5)
    rst = rst * norm[:, None]
    rst = rst + bias
    return jax.nn.relu(rst)

if __name__ == "__main__":
    import jax
    _d = setup_inputs()
    print(jax.jit(kernel)(*tuple(_d.values())))

</pallas_src>

<mosaic_0001>
#map = affine_map<(d0, d1) -> (0, 0)>
#map1 = affine_map<(d0, d1) -> (0, 0, 0, 0)>
#map2 = affine_map<(d0, d1) -> (0, 0, 0)>
module attributes {stable_mosaic.version = 14 : i64} {
  func.func @_sc_body(%arg0: i32, %arg1: i32, %arg2: memref<10000x144xf32, #tpu.memory_space<hbm>>, %arg3: memref<2x32x250x40xi32, #tpu.memory_space<hbm>>, %arg4: memref<2x10240x144xf32, #tpu.memory_space<hbm>>, %arg5: memref<250x40xi32, #tpu.memory_space<vmem>>, %arg6: memref<250x40xi32, #tpu.memory_space<vmem>>, %arg7: memref<40x144xf32, #tpu.memory_space<vmem>>, %arg8: memref<40x144xf32, #tpu.memory_space<vmem>>, %arg9: memref<8x144xf32, #tpu.memory_space<vmem>>, %arg10: memref<10240x144xf32, #tpu.memory_space<vmem_shared>>, %arg11: memref<!tpu.dma_semaphore, #tpu.memory_space<semaphore_mem>>, %arg12: memref<!tpu.dma_semaphore, #tpu.memory_space<semaphore_mem>>) attributes {dimension_semantics = [#tpu.dimension_semantics<core_parallel>, #tpu.dimension_semantics<subcore_parallel>], iteration_bounds = array<i64: 2, 16>, scalar_prefetch = 0 : i64, scratch_operands = 8 : i64, tpu.core_type = #tpu.core_type<sc_vector_subcore>, window_params = [{transform_indices = #map}, {transform_indices = #map1}, {transform_indices = #map2}]} {
    %mul3A = arith.constant 2 : i32
    %mul3A_0 = arith.muli %arg1, %mul3A : i32
    %add3A = arith.addi %mul3A_0, %arg0 : i32
    %dma_start3A = arith.constant 0 : i32
    %dma_start3A_1 = arith.constant 0 : i32
    %dma_start3A_2 = arith.constant 0 : i32
    %dma_start3A_3 = tpu.memref_slice %arg3[%dma_start3A, %add3A, %dma_start3A_1, %dma_start3A_2] : memref<2x32x250x40xi32, #tpu.memory_space<hbm>> -> memref<1x1x250x40xi32, #tpu.memory_space<hbm>>
    %dma_start3A_4 = tpu.memref_squeeze %dma_start3A_3 : memref<1x1x250x40xi32, #tpu.memory_space<hbm>> -> memref<250x40xi32, #tpu.memory_space<hbm>>
    %dma_start3A_5 = arith.constant 0 : i32
    %dma_start3A_6 = arith.constant 0 : i32
    %dma_start3A_7 = tpu.memref_slice %arg3[%dma_start3A, %add3A, %dma_start3A_5, %dma_start3A_6] : memref<2x32x250x40xi32, #tpu.memory_space<hbm>> -> memref<1x1x250x40xi32, #tpu.memory_space<hbm>>
    %dma_start3A_8 = tpu.memref_squeeze %dma_start3A_7 : memref<1x1x250x40xi32, #tpu.memory_space<hbm>> -> memref<250x40xi32, #tpu.memory_space<hbm>>
    tpu.enqueue_dma source(%dma_start3A_8 : memref<250x40xi32, #tpu.memory_space<hbm>>) target(%arg5 : memref<250x40xi32, #tpu.memory_space<vmem>>) target_semaphore(%arg11 : memref<!tpu.dma_semaphore, #tpu.memory_space<semaphore_mem>>)
    %dma_start3A_9 = arith.constant 1 : i32
    %dma_start3A_10 = arith.constant 0 : i32
    %dma_start3A_11 = arith.constant 0 : i32
    %dma_start3A_12 = tpu.memref_slice %arg3[%dma_start3A_9, %add3A, %dma_start3A_10, %dma_start3A_11] : memref<2x32x250x40xi32, #tpu.memory_space<hbm>> -> memref<1x1x250x40xi32, #tpu.memory_space<hbm>>
    %dma_start3A_13 = tpu.memref_squeeze %dma_start3A_12 : memref<1x1x250x40xi32, #tpu.memory_space<hbm>> -> memref<250x40xi32, #tpu.memory_space<hbm>>
    %dma_start3A_14 = arith.constant 0 : i32
    %dma_start3A_15 = arith.constant 0 : i32
    %dma_start3A_16 = tpu.memref_slice %arg3[%dma_start3A_9, %add3A, %dma_start3A_14, %dma_start3A_15] : memref<2x32x250x40xi32, #tpu.memory_space<hbm>> -> memref<1x1x250x40xi32, #tpu.memory_space<hbm>>
    %dma_start3A_17 = tpu.memref_squeeze %dma_start3A_16 : memref<1x1x250x40xi32, #tpu.memory_space<hbm>> -> memref<250x40xi32, #tpu.memory_space<hbm>>
    tpu.enqueue_dma source(%dma_start3A_17 : memref<250x40xi32, #tpu.memory_space<hbm>>) target(%arg6 : memref<250x40xi32, #tpu.memory_space<vmem>>) target_semaphore(%arg12 : memref<!tpu.dma_semaphore, #tpu.memory_space<semaphore_mem>>)
    %scan3A = arith.constant 0 : i32
    %scan3A_18 = arith.constant 0 : i32
    %scan3A_19 = arith.constant 8 : i32
    %scan3A_20 = arith.addi %scan3A_18, %scan3A_19 : i32
    %scan3A_21 = arith.constant 1 : i32
    scf.for %scan3A_86 = %scan3A_18 to %scan3A_20 step %scan3A_21  : i32 {
      %broadcast_in_dim3A = arith.constant 0.000000e+00 : f32
      %broadcast_in_dim3A_87 = vector.broadcast %broadcast_in_dim3A : f32 to vector<16xf32>
      %swap3A = arith.index_cast %scan3A_86 : i32 to index
      %swap3A_88 = arith.constant 0 : index
      %swap3A_89 = tpu.vector_load %arg9[%swap3A, %swap3A_88] {strides = array<i32>} : memref<8x144xf32, #tpu.memory_space<vmem>>, vector<1x16xf32>,
      %swap3A_90 = vector.shape_cast %swap3A_89 : vector<1x16xf32> to vector<16xf32>
      %swap3A_91 = vector.shape_cast %broadcast_in_dim3A_87 : vector<16xf32> to vector<1x16xf32>
      tpu.vector_store %arg9[%swap3A, %swap3A_88], %swap3A_91 {strides = array<i32>} : memref<8x144xf32, #tpu.memory_space<vmem>>, vector<1x16xf32>,
      %broadcast_in_dim3A_92 = arith.constant 0.000000e+00 : f32
      %broadcast_in_dim3A_93 = vector.broadcast %broadcast_in_dim3A_92 : f32 to vector<16xf32>
      %swap3A_94 = arith.index_cast %scan3A_86 : i32 to index
      %swap3A_95 = arith.constant 16 : index
      %swap3A_96 = tpu.vector_load %arg9[%swap3A_94, %swap3A_95] {strides = array<i32>} : memref<8x144xf32, #tpu.memory_space<vmem>>, vector<1x16xf32>,
      %swap3A_97 = vector.shape_cast %swap3A_96 : vector<1x16xf32> to vector<16xf32>
      %swap3A_98 = vector.shape_cast %broadcast_in_dim3A_93 : vector<16xf32> to vector<1x16xf32>
      tpu.vector_store %arg9[%swap3A_94, %swap3A_95], %swap3A_98 {strides = array<i32>} : memref<8x144xf32, #tpu.memory_space<vmem>>, vector<1x16xf32>,
      %broadcast_in_dim3A_99 = arith.constant 0.000000e+00 : f32
      %broadcast_in_dim3A_100 = vector.broadcast %broadcast_in_dim3A_99 : f32 to vector<16xf32>
      %swap3A_101 = arith.index_cast %scan3A_86 : i32 to index
      %swap3A_102 = arith.constant 32 : index
      %swap3A_103 = tpu.vector_load %arg9[%swap3A_101, %swap3A_102] {strides = array<i32>} : memref<8x144xf32, #tpu.memory_space<vmem>>, vector<1x16xf32>,
      %swap3A_104 = vector.shape_cast %swap3A_103 : vector<1x16xf32> to vector<16xf32>
      %swap3A_105 = vector.shape_cast %broadcast_in_dim3A_100 : vector<16xf32> to vector<1x16xf32>
      tpu.vector_store %arg9[%swap3A_101, %swap3A_102], %swap3A_105 {strides = array<i32>} : memref<8x144xf32, #tpu.memory_space<vmem>>, vector<1x16xf32>,
      %broadcast_in_dim3A_106 = arith.constant 0.000000e+00 : f32
      %broadcast_in_dim3A_107 = vector.broadcast %broadcast_in_dim3A_106 : f32 to vector<16xf32>
      %swap3A_108 = arith.index_cast %scan3A_86 : i32 to index
      %swap3A_109 = arith.constant 48 : index
      %swap3A_110 = tpu.vector_load %arg9[%swap3A_108, %swap3A_109] {strides = array<i32>} : memref<8x144xf32, #tpu.memory_space<vmem>>, vector<1x16xf32>,
      %swap3A_111 = vector.shape_cast %swap3A_110 : vector<1x16xf32> to vector<16xf32>
      %swap3A_112 = vector.shape_cast %broadcast_in_dim3A_107 : vector<16xf32> to vector<1x16xf32>
      tpu.vector_store %arg9[%swap3A_108, %swap3A_109], %swap3A_112 {strides = array<i32>} : memref<8x144xf32, #tpu.memory_space<vmem>>, vector<1x16xf32>,
      %broadcast_in_dim3A_113 = arith.constant 0.000000e+00 : f32
      %broadcast_in_dim3A_114 = vector.broadcast %broadcast_in_dim3A_113 : f32 to vector<16xf32>
      %swap3A_115 = arith.index_cast %scan3A_86 : i32 to index
      %swap3A_116 = arith.constant 64 : index
      %swap3A_117 = tpu.vector_load %arg9[%swap3A_115, %swap3A_116] {strides = array<i32>} : memref<8x144xf32, #tpu.memory_space<vmem>>, vector<1x16xf32>,
      %swap3A_118 = vector.shape_cast %swap3A_117 : vector<1x16xf32> to vector<16xf32>
      %swap3A_119 = vector.shape_cast %broadcast_in_dim3A_114 : vector<16xf32> to vector<1x16xf32>
      tpu.vector_store %arg9[%swap3A_115, %swap3A_116], %swap3A_119 {strides = array<i32>} : memref<8x144xf32, #tpu.memory_space<vmem>>, vector<1x16xf32>,
      %broadcast_in_dim3A_120 = arith.constant 0.000000e+00 : f32
      %broadcast_in_dim3A_121 = vector.broadcast %broadcast_in_dim3A_120 : f32 to vector<16xf32>
      %swap3A_122 = arith.index_cast %scan3A_86 : i32 to index
      %swap3A_123 = arith.constant 80 : index
      %swap3A_124 = tpu.vector_load %arg9[%swap3A_122, %swap3A_123] {strides = array<i32>} : memref<8x144xf32, #tpu.memory_space<vmem>>, vector<1x16xf32>,
      %swap3A_125 = vector.shape_cast %swap3A_124 : vector<1x16xf32> to vector<16xf32>
      %swap3A_126 = vector.shape_cast %broadcast_in_dim3A_121 : vector<16xf32> to vector<1x16xf32>
      tpu.vector_store %arg9[%swap3A_122, %swap3A_123], %swap3A_126 {strides = array<i32>} : memref<8x144xf32, #tpu.memory_space<vmem>>, vector<1x16xf32>,
      %broadcast_in_dim3A_127 = arith.constant 0.000000e+00 : f32
      %broadcast_in_dim3A_128 = vector.broadcast %broadcast_in_dim3A_127 : f32 to vector<16xf32>
      %swap3A_129 = arith.index_cast %scan3A_86 : i32 to index
      %swap3A_130 = arith.constant 96 : index
      %swap3A_131 = tpu.vector_load %arg9[%swap3A_129, %swap3A_130] {strides = array<i32>} : memref<8x144xf32, #tpu.memory_space<vmem>>, vector<1x16xf32>,
      %swap3A_132 = vector.shape_cast %swap3A_131 : vector<1x16xf32> to vector<16xf32>
      %swap3A_133 = vector.shape_cast %broadcast_in_dim3A_128 : vector<16xf32> to vector<1x16xf32>
      tpu.vector_store %arg9[%swap3A_129, %swap3A_130], %swap3A_133 {strides = array<i32>} : memref<8x144xf32, #tpu.memory_space<vmem>>, vector<1x16xf32>,
      %broadcast_in_dim3A_134 = arith.constant 0.000000e+00 : f32
      %broadcast_in_dim3A_135 = vector.broadcast %broadcast_in_dim3A_134 : f32 to vector<16xf32>
      %swap3A_136 = arith.index_cast %scan3A_86 : i32 to index
      %swap3A_137 = arith.constant 112 : index
      %swap3A_138 = tpu.vector_load %arg9[%swap3A_136, %swap3A_137] {strides = array<i32>} : memref<8x144xf32, #tpu.memory_space<vmem>>, vector<1x16xf32>,
      %swap3A_139 = vector.shape_cast %swap3A_138 : vector<1x16xf32> to vector<16xf32>
      %swap3A_140 = vector.shape_cast %broadcast_in_dim3A_135 : vector<16xf32> to vector<1x16xf32>
      tpu.vector_store %arg9[%swap3A_136, %swap3A_137], %swap3A_140 {strides = array<i32>} : memref<8x144xf32, #tpu.memory_space<vmem>>, vector<1x16xf32>,
      %broadcast_in_dim3A_141 = arith.constant 0.000000e+00 : f32
      %broadcast_in_dim3A_142 = vector.broadcast %broadcast_in_dim3A_141 : f32 to vector<16xf32>
      %swap3A_143 = arith.index_cast %scan3A_86 : i32 to index
      %swap3A_144 = arith.constant 128 : index
      %swap3A_145 = tpu.vector_load %arg9[%swap3A_143, %swap3A_144] {strides = array<i32>} : memref<8x144xf32, #tpu.memory_space<vmem>>, vector<1x16xf32>,
      %swap3A_146 = vector.shape_cast %swap3A_145 : vector<1x16xf32> to vector<16xf32>
      %swap3A_147 = vector.shape_cast %broadcast_in_dim3A_142 : vector<16xf32> to vector<1x16xf32>
      tpu.vector_store %arg9[%swap3A_143, %swap3A_144], %swap3A_147 {strides = array<i32>} : memref<8x144xf32, #tpu.memory_space<vmem>>, vector<1x16xf32>,
    }
    %scan3A_22 = arith.constant 8 : i32
    %scan3A_23 = arith.constant 0 : i32
    %scan3A_24 = arith.constant 0 : i32
    %scan3A_25 = arith.constant 80 : i32
    %scan3A_26 = arith.addi %scan3A_24, %scan3A_25 : i32
    %scan3A_27 = arith.constant 1 : i32
    scf.for %scan3A_86 = %scan3A_24 to %scan3A_26 step %scan3A_27  : i32 {
      %mul3A_87 = arith.constant 640 : i32
      %mul3A_88 = arith.muli %arg1, %mul3A_87 : i32
      %mul3A_89 = arith.constant 8 : i32
      %mul3A_90 = arith.muli %scan3A_86, %mul3A_89 : i32
      %add3A_91 = arith.addi %mul3A_88, %mul3A_90 : i32
      "tpu.region"() ({
        %run_scoped3A_92 = tpu.sem_alloc : memref<!tpu.dma_semaphore, #tpu.memory_space<semaphore_mem>>
        %dma_start3A_93 = arith.constant 0 : i32
        %dma_start3A_94 = tpu.memref_slice %arg10[%add3A_91, %dma_start3A_93] : memref<10240x144xf32, #tpu.memory_space<vmem_shared>> -> memref<8x144xf32, #tpu.memory_space<vmem_shared>>
        %dma_start3A_95 = arith.constant 0 : i32
        %dma_start3A_96 = tpu.memref_slice %arg10[%add3A_91, %dma_start3A_95] : memref<10240x144xf32, #tpu.memory_space<vmem_shared>> -> memref<8x144xf32, #tpu.memory_space<vmem_shared>>
        tpu.enqueue_dma source(%arg9 : memref<8x144xf32, #tpu.memory_space<vmem>>) target(%dma_start3A_96 : memref<8x144xf32, #tpu.memory_space<vmem_shared>>) target_semaphore(%run_scoped3A_92 : memref<!tpu.dma_semaphore, #tpu.memory_space<semaphore_mem>>)
        %dma_wait3A_97 = arith.constant 0 : i32
        %dma_wait3A_98 = tpu.memref_slice %arg10[%add3A_91, %dma_wait3A_97] : memref<10240x144xf32, #tpu.memory_space<vmem_shared>> -> memref<8x144xf32, #tpu.memory_space<vmem_shared>>
        %dma_wait3A_99 = arith.constant 0 : i32
        %dma_wait3A_100 = tpu.memref_slice %arg10[%add3A_91, %dma_wait3A_99] : memref<10240x144xf32, #tpu.memory_space<vmem_shared>> -> memref<8x144xf32, #tpu.memory_space<vmem_shared>>
        tpu.wait_dma2 semaphore(%run_scoped3A_92 : memref<!tpu.dma_semaphore, #tpu.memory_space<semaphore_mem>>) src(%arg9 : memref<8x144xf32, #tpu.memory_space<vmem>>) dst(%dma_wait3A_100 : memref<8x144xf32, #tpu.memory_space<vmem_shared>>)
        tpu.yield
      }) : () -> ()
    }
    %scan3A_28 = arith.constant 80 : i32
    %dma_wait3A = arith.constant 0 : i32
    %dma_wait3A_29 = arith.constant 0 : i32
    %dma_wait3A_30 = arith.constant 0 : i32
    %dma_wait3A_31 = tpu.memref_slice %arg3[%dma_wait3A, %add3A, %dma_wait3A_29, %dma_wait3A_30] : memref<2x32x250x40xi32, #tpu.memory_space<hbm>> -> memref<1x1x250x40xi32, #tpu.memory_space<hbm>>
    %dma_wait3A_32 = tpu.memref_squeeze %dma_wait3A_31 : memref<1x1x250x40xi32, #tpu.memory_space<hbm>> -> memref<250x40xi32, #tpu.memory_space<hbm>>
    %dma_wait3A_33 = arith.constant 0 : i32
    %dma_wait3A_34 = arith.constant 0 : i32
    %dma_wait3A_35 = tpu.memref_slice %arg3[%dma_wait3A, %add3A, %dma_wait3A_33, %dma_wait3A_34] : memref<2x32x250x40xi32, #tpu.memory_space<hbm>> -> memref<1x1x250x40xi32, #tpu.memory_space<hbm>>
    %dma_wait3A_36 = tpu.memref_squeeze %dma_wait3A_35 : memref<1x1x250x40xi32, #tpu.memory_space<hbm>> -> memref<250x40xi32, #tpu.memory_space<hbm>>
    tpu.wait_dma2 semaphore(%arg11 : memref<!tpu.dma_semaphore, #tpu.memory_space<semaphore_mem>>) src(%dma_wait3A_36 : memref<250x40xi32, #tpu.memory_space<hbm>>) dst(%arg5 : memref<250x40xi32, #tpu.memory_space<vmem>>)
    %dma_wait3A_37 = arith.constant 1 : i32
    %dma_wait3A_38 = arith.constant 0 : i32
    %dma_wait3A_39 = arith.constant 0 : i32
    %dma_wait3A_40 = tpu.memref_slice %arg3[%dma_wait3A_37, %add3A, %dma_wait3A_38, %dma_wait3A_39] : memref<2x32x250x40xi32, #tpu.memory_space<hbm>> -> memref<1x1x250x40xi32, #tpu.memory_space<hbm>>
    %dma_wait3A_41 = tpu.memref_squeeze %dma_wait3A_40 : memref<1x1x250x40xi32, #tpu.memory_space<hbm>> -> memref<250x40xi32, #tpu.memory_space<hbm>>
    %dma_wait3A_42 = arith.constant 0 : i32
    %dma_wait3A_43 = arith.constant 0 : i32
    %dma_wait3A_44 = tpu.memref_slice %arg3[%dma_wait3A_37, %add3A, %dma_wait3A_42, %dma_wait3A_43] : memref<2x32x250x40xi32, #tpu.memory_space<hbm>> -> memref<1x1x250x40xi32, #tpu.memory_space<hbm>>
    %dma_wait3A_45 = tpu.memref_squeeze %dma_wait3A_44 : memref<1x1x250x40xi32, #tpu.memory_space<hbm>> -> memref<250x40xi32, #tpu.memory_space<hbm>>
    tpu.wait_dma2 semaphore(%arg12 : memref<!tpu.dma_semaphore, #tpu.memory_space<semaphore_mem>>) src(%dma_wait3A_45 : memref<250x40xi32, #tpu.memory_space<hbm>>) dst(%arg6 : memref<250x40xi32, #tpu.memory_space<vmem>>)
    %barrier3A = arith.constant 0 : index
    tpu.barrier barrier_id(%barrier3A)
    %dma_start3A_46 = arith.constant 0 : i32
    %dma_start3A_47 = arith.constant 0 : i32
    %dma_start3A_48 = tpu.memref_slice %arg5[%dma_start3A_46, %dma_start3A_47] : memref<250x40xi32, #tpu.memory_space<vmem>> -> memref<1x40xi32, #tpu.memory_space<vmem>>
    %dma_start3A_49 = tpu.memref_squeeze %dma_start3A_48 : memref<1x40xi32, #tpu.memory_space<vmem>> -> memref<40xi32, #tpu.memory_space<vmem>>
    %dma_start3A_50 = arith.constant 0 : i32
    %dma_start3A_51 = arith.constant 0 : i32
    %dma_start3A_52 = tpu.memref_slice %arg2[%dma_start3A_50, %dma_start3A_51] : memref<10000x144xf32, #tpu.memory_space<hbm>> -> memref<10000x144xf32, #tpu.memory_space<hbm>>
    tpu.enqueue_indirect_dma source(%dma_start3A_52 : memref<10000x144xf32, #tpu.memory_space<hbm>>) target(%arg7 : memref<40x144xf32, #tpu.memory_space<vmem>>) offsets(%dma_start3A_49 : memref<40xi32, #tpu.memory_space<vmem>>) semaphore(%arg11 : memref<!tpu.dma_semaphore, #tpu.memory_space<semaphore_mem>>)
    %dma_start3A_53 = arith.constant 1 : i32
    %dma_start3A_54 = arith.constant 0 : i32
    %dma_start3A_55 = tpu.memref_slice %arg5[%dma_start3A_53, %dma_start3A_54] : memref<250x40xi32, #tpu.memory_space<vmem>> -> memref<1x40xi32, #tpu.memory_space<vmem>>
    %dma_start3A_56 = tpu.memref_squeeze %dma_start3A_55 : memref<1x40xi32, #tpu.memory_space<vmem>> -> memref<40xi32, #tpu.memory_space<vmem>>
    %dma_start3A_57 = arith.constant 0 : i32
    %dma_start3A_58 = arith.constant 0 : i32
    %dma_start3A_59 = tpu.memref_slice %arg2[%dma_start3A_57, %dma_start3A_58] : memref<10000x144xf32, #tpu.memory_space<hbm>> -> memref<10000x144xf32, #tpu.memory_space<hbm>>
    tpu.enqueue_indirect_dma source(%dma_start3A_59 : memref<10000x144xf32, #tpu.memory_space<hbm>>) target(%arg8 : memref<40x144xf32, #tpu.memory_space<vmem>>) offsets(%dma_start3A_56 : memref<40xi32, #tpu.memory_space<vmem>>) semaphore(%arg12 : memref<!tpu.dma_semaphore, #tpu.memory_space<semaphore_mem>>)
    %scan3A_60 = arith.constant 0 : i32
    %scan3A_61 = arith.constant 0 : i32
    %scan3A_62 = arith.constant 124 : i32
    %scan3A_63 = arith.addi %scan3A_61, %scan3A_62 : i32
    %scan3A_64 = arith.constant 1 : i32
    scf.for %scan3A_86 = %scan3A_61 to %scan3A_63 step %scan3A_64  : i32 {
      %mul3A_87 = arith.constant 2 : i32
      %mul3A_88 = arith.muli %mul3A_87, %scan3A_86 : i32
      %dma_wait3A_89 = arith.constant 0 : i32
      %dma_wait3A_90 = tpu.memref_slice %arg5[%mul3A_88, %dma_wait3A_89] : memref<250x40xi32, #tpu.memory_space<vmem>> -> memref<1x40xi32, #tpu.memory_space<vmem>>
      %dma_wait3A_91 = tpu.memref_squeeze %dma_wait3A_90 : memref<1x40xi32, #tpu.memory_space<vmem>> -> memref<40xi32, #tpu.memory_space<vmem>>
      %dma_wait3A_92 = arith.constant 0 : i32
      %dma_wait3A_93 = arith.constant 0 : i32
      %dma_wait3A_94 = tpu.memref_slice %arg2[%dma_wait3A_92, %dma_wait3A_93] : memref<10000x144xf32, #tpu.memory_space<hbm>> -> memref<10000x144xf32, #tpu.memory_space<hbm>>
      tpu.wait_indirect_dma semaphore(%arg11 : memref<!tpu.dma_semaphore, #tpu.memory_space<semaphore_mem>>) src(%dma_wait3A_94 : memref<10000x144xf32, #tpu.memory_space<hbm>>) dst(%arg7 : memref<40x144xf32, #tpu.memory_space<vmem>>)
      "tpu.region"() ({
        %run_scoped3A_121 = tpu.sem_alloc : memref<!tpu.dma_semaphore, #tpu.memory_space<semaphore_mem>>
        %dma_start3A_122 = arith.constant 0 : i32
        %dma_start3A_123 = tpu.memref_slice %arg6[%mul3A_88, %dma_start3A_122] : memref<250x40xi32, #tpu.memory_space<vmem>> -> memref<1x40xi32, #tpu.memory_space<vmem>>
        %dma_start3A_124 = tpu.memref_squeeze %dma_start3A_123 : memref<1x40xi32, #tpu.memory_space<vmem>> -> memref<40xi32, #tpu.memory_space<vmem>>
        %dma_start3A_125 = arith.constant 0 : i32
        %dma_start3A_126 = arith.constant 0 : i32
        %dma_start3A_127 = tpu.memref_slice %arg10[%dma_start3A_125, %dma_start3A_126] : memref<10240x144xf32, #tpu.memory_space<vmem_shared>> -> memref<10240x144xf32, #tpu.memory_space<vmem_shared>>
        tpu.enqueue_indirect_dma source(%arg7 : memref<40x144xf32, #tpu.memory_space<vmem>>) target(%dma_start3A_127 : memref<10240x144xf32, #tpu.memory_space<vmem_shared>>) offsets(%dma_start3A_124 : memref<40xi32, #tpu.memory_space<vmem>>) semaphore(%run_scoped3A_121 : memref<!tpu.dma_semaphore, #tpu.memory_space<semaphore_mem>>) {add = true}
        %dma_wait3A_128 = arith.constant 0 : i32
        %dma_wait3A_129 = tpu.memref_slice %arg6[%mul3A_88, %dma_wait3A_128] : memref<250x40xi32, #tpu.memory_space<vmem>> -> memref<1x40xi32, #tpu.memory_space<vmem>>
        %dma_wait3A_130 = tpu.memref_squeeze %dma_wait3A_129 : memref<1x40xi32, #tpu.memory_space<vmem>> -> memref<40xi32, #tpu.memory_space<vmem>>
        %dma_wait3A_131 = arith.constant 0 : i32
        %dma_wait3A_132 = arith.constant 0 : i32
        %dma_wait3A_133 = tpu.memref_slice %arg10[%dma_wait3A_131, %dma_wait3A_132] : memref<10240x144xf32, #tpu.memory_space<vmem_shared>> -> memref<10240x144xf32, #tpu.memory_space<vmem_shared>>
        tpu.wait_indirect_dma semaphore(%run_scoped3A_121 : memref<!tpu.dma_semaphore, #tpu.memory_space<semaphore_mem>>) src(%arg7 : memref<40x144xf32, #tpu.memory_space<vmem>>) dst(%dma_wait3A_133 : memref<10240x144xf32, #tpu.memory_space<vmem_shared>>)
        tpu.yield
      }) : () -> ()
      %add3A_95 = arith.constant 2 : i32
      %add3A_96 = arith.addi %mul3A_88, %add3A_95 : i32
      %dma_start3A_97 = arith.constant 0 : i32
      %dma_start3A_98 = tpu.memref_slice %arg5[%add3A_96, %dma_start3A_97] : memref<250x40xi32, #tpu.memory_space<vmem>> -> memref<1x40xi32, #tpu.memory_space<vmem>>
      %dma_start3A_99 = tpu.memref_squeeze %dma_start3A_98 : memref<1x40xi32, #tpu.memory_space<vmem>> -> memref<40xi32, #tpu.memory_space<vmem>>
      %dma_start3A_100 = arith.constant 0 : i32
      %dma_start3A_101 = arith.constant 0 : i32
      %dma_start3A_102 = tpu.memref_slice %arg2[%dma_start3A_100, %dma_start3A_101] : memref<10000x144xf32, #tpu.memory_space<hbm>> -> memref<10000x144xf32, #tpu.memory_space<hbm>>
      tpu.enqueue_indirect_dma source(%dma_start3A_102 : memref<10000x144xf32, #tpu.memory_space<hbm>>) target(%arg7 : memref<40x144xf32, #tpu.memory_space<vmem>>) offsets(%dma_start3A_99 : memref<40xi32, #tpu.memory_space<vmem>>) semaphore(%arg11 : memref<!tpu.dma_semaphore, #tpu.memory_space<semaphore_mem>>)
      %add3A_103 = arith.constant 1 : i32
      %add3A_104 = arith.addi %mul3A_88, %add3A_103 : i32
      %dma_wait3A_105 = arith.constant 0 : i32
      %dma_wait3A_106 = tpu.memref_slice %arg5[%add3A_104, %dma_wait3A_105] : memref<250x40xi32, #tpu.memory_space<vmem>> -> memref<1x40xi32, #tpu.memory_space<vmem>>
      %dma_wait3A_107 = tpu.memref_squeeze %dma_wait3A_106 : memref<1x40xi32, #tpu.memory_space<vmem>> -> memref<40xi32, #tpu.memory_space<vmem>>
      %dma_wait3A_108 = arith.constant 0 : i32
      %dma_wait3A_109 = arith.constant 0 : i32
      %dma_wait3A_110 = tpu.memref_slice %arg2[%dma_wait3A_108, %dma_wait3A_109] : memref<10000x144xf32, #tpu.memory_space<hbm>> -> memref<10000x144xf32, #tpu.memory_space<hbm>>
      tpu.wait_indirect_dma semaphore(%arg12 : memref<!tpu.dma_semaphore, #tpu.memory_space<semaphore_mem>>) src(%dma_wait3A_110 : memref<10000x144xf32, #tpu.memory_space<hbm>>) dst(%arg8 : memref<40x144xf32, #tpu.memory_space<vmem>>)
      %add3A_111 = arith.constant 1 : i32
      %add3A_112 = arith.addi %mul3A_88, %add3A_111 : i32
      "tpu.region"() ({
        %run_scoped3A_121 = tpu.sem_alloc : memref<!tpu.dma_semaphore, #tpu.memory_space<semaphore_mem>>
        %dma_start3A_122 = arith.constant 0 : i32
        %dma_start3A_123 = tpu.memref_slice %arg6[%add3A_112, %dma_start3A_122] : memref<250x40xi32, #tpu.memory_space<vmem>> -> memref<1x40xi32, #tpu.memory_space<vmem>>
        %dma_start3A_124 = tpu.memref_squeeze %dma_start3A_123 : memref<1x40xi32, #tpu.memory_space<vmem>> -> memref<40xi32, #tpu.memory_space<vmem>>
        %dma_start3A_125 = arith.constant 0 : i32
        %dma_start3A_126 = arith.constant 0 : i32
        %dma_start3A_127 = tpu.memref_slice %arg10[%dma_start3A_125, %dma_start3A_126] : memref<10240x144xf32, #tpu.memory_space<vmem_shared>> -> memref<10240x144xf32, #tpu.memory_space<vmem_shared>>
        tpu.enqueue_indirect_dma source(%arg8 : memref<40x144xf32, #tpu.memory_space<vmem>>) target(%dma_start3A_127 : memref<10240x144xf32, #tpu.memory_space<vmem_shared>>) offsets(%dma_start3A_124 : memref<40xi32, #tpu.memory_space<vmem>>) semaphore(%run_scoped3A_121 : memref<!tpu.dma_semaphore, #tpu.memory_space<semaphore_mem>>) {add = true}
        %dma_wait3A_128 = arith.constant 0 : i32
        %dma_wait3A_129 = tpu.memref_slice %arg6[%add3A_112, %dma_wait3A_128] : memref<250x40xi32, #tpu.memory_space<vmem>> -> memref<1x40xi32, #tpu.memory_space<vmem>>
        %dma_wait3A_130 = tpu.memref_squeeze %dma_wait3A_129 : memref<1x40xi32, #tpu.memory_space<vmem>> -> memref<40xi32, #tpu.memory_space<vmem>>
        %dma_wait3A_131 = arith.constant 0 : i32
        %dma_wait3A_132 = arith.constant 0 : i32
        %dma_wait3A_133 = tpu.memref_slice %arg10[%dma_wait3A_131, %dma_wait3A_132] : memref<10240x144xf32, #tpu.memory_space<vmem_shared>> -> memref<10240x144xf32, #tpu.memory_space<vmem_shared>>
        tpu.wait_indirect_dma semaphore(%run_scoped3A_121 : memref<!tpu.dma_semaphore, #tpu.memory_space<semaphore_mem>>) src(%arg8 : memref<40x144xf32, #tpu.memory_space<vmem>>) dst(%dma_wait3A_133 : memref<10240x144xf32, #tpu.memory_space<vmem_shared>>)
        tpu.yield
      }) : () -> ()
      %add3A_113 = arith.constant 3 : i32
      %add3A_114 = arith.addi %mul3A_88, %add3A_113 : i32
      %dma_start3A_115 = arith.constant 0 : i32
      %dma_start3A_116 = tpu.memref_slice %arg5[%add3A_114, %dma_start3A_115] : memref<250x40xi32, #tpu.memory_space<vmem>> -> memref<1x40xi32, #tpu.memory_space<vmem>>
      %dma_start3A_117 = tpu.memref_squeeze %dma_start3A_116 : memref<1x40xi32, #tpu.memory_space<vmem>> -> memref<40xi32, #tpu.memory_space<vmem>>
      %dma_start3A_118 = arith.constant 0 : i32
      %dma_start3A_119 = arith.constant 0 : i32
      %dma_start3A_120 = tpu.memref_slice %arg2[%dma_start3A_118, %dma_start3A_119] : memref<10000x144xf32, #tpu.memory_space<hbm>> -> memref<10000x144xf32, #tpu.memory_space<hbm>>
      tpu.enqueue_indirect_dma source(%dma_start3A_120 : memref<10000x144xf32, #tpu.memory_space<hbm>>) target(%arg8 : memref<40x144xf32, #tpu.memory_space<vmem>>) offsets(%dma_start3A_117 : memref<40xi32, #tpu.memory_space<vmem>>) semaphore(%arg12 : memref<!tpu.dma_semaphore, #tpu.memory_space<semaphore_mem>>)
    }
    %scan3A_65 = arith.constant 124 : i32
    %dma_wait3A_66 = arith.constant 248 : i32
    %dma_wait3A_67 = arith.constant 0 : i32
    %dma_wait3A_68 = tpu.memref_slice %arg5[%dma_wait3A_66, %dma_wait3A_67] : memref<250x40xi32, #tpu.memory_space<vmem>> -> memref<1x40xi32, #tpu.memory_space<vmem>>
    %dma_wait3A_69 = tpu.memref_squeeze %dma_wait3A_68 : memref<1x40xi32, #tpu.memory_space<vmem>> -> memref<40xi32, #tpu.memory_space<vmem>>
    %dma_wait3A_70 = arith.constant 0 : i32
    %dma_wait3A_71 = arith.constant 0 : i32
    %dma_wait3A_72 = tpu.memref_slice %arg2[%dma_wait3A_70, %dma_wait3A_71] : memref<10000x144xf32, #tpu.memory_space<hbm>> -> memref<10000x144xf32, #tpu.memory_space<hbm>>
    tpu.wait_indirect_dma semaphore(%arg11 : memref<!tpu.dma_semaphore, #tpu.memory_space<semaphore_mem>>) src(%dma_wait3A_72 : memref<10000x144xf32, #tpu.memory_space<hbm>>) dst(%arg7 : memref<40x144xf32, #tpu.memory_space<vmem>>)
    %run_scoped3A = arith.constant 248 : i32
    "tpu.region"() ({
      %run_scoped3A_86 = tpu.sem_alloc : memref<!tpu.dma_semaphore, #tpu.memory_space<semaphore_mem>>
      %dma_start3A_87 = arith.constant 0 : i32
      %dma_start3A_88 = tpu.memref_slice %arg6[%run_scoped3A, %dma_start3A_87] : memref<250x40xi32, #tpu.memory_space<vmem>> -> memref<1x40xi32, #tpu.memory_space<vmem>>
      %dma_start3A_89 = tpu.memref_squeeze %dma_start3A_88 : memref<1x40xi32, #tpu.memory_space<vmem>> -> memref<40xi32, #tpu.memory_space<vmem>>
      %dma_start3A_90 = arith.constant 0 : i32
      %dma_start3A_91 = arith.constant 0 : i32
      %dma_start3A_92 = tpu.memref_slice %arg10[%dma_start3A_90, %dma_start3A_91] : memref<10240x144xf32, #tpu.memory_space<vmem_shared>> -> memref<10240x144xf32, #tpu.memory_space<vmem_shared>>
      tpu.enqueue_indirect_dma source(%arg7 : memref<40x144xf32, #tpu.memory_space<vmem>>) target(%dma_start3A_92 : memref<10240x144xf32, #tpu.memory_space<vmem_shared>>) offsets(%dma_start3A_89 : memref<40xi32, #tpu.memory_space<vmem>>) semaphore(%run_scoped3A_86 : memref<!tpu.dma_semaphore, #tpu.memory_space<semaphore_mem>>) {add = true}
      %dma_wait3A_93 = arith.constant 0 : i32
      %dma_wait3A_94 = tpu.memref_slice %arg6[%run_scoped3A, %dma_wait3A_93] : memref<250x40xi32, #tpu.memory_space<vmem>> -> memref<1x40xi32, #tpu.memory_space<vmem>>
      %dma_wait3A_95 = tpu.memref_squeeze %dma_wait3A_94 : memref<1x40xi32, #tpu.memory_space<vmem>> -> memref<40xi32, #tpu.memory_space<vmem>>
      %dma_wait3A_96 = arith.constant 0 : i32
      %dma_wait3A_97 = arith.constant 0 : i32
      %dma_wait3A_98 = tpu.memref_slice %arg10[%dma_wait3A_96, %dma_wait3A_97] : memref<10240x144xf32, #tpu.memory_space<vmem_shared>> -> memref<10240x144xf32, #tpu.memory_space<vmem_shared>>
      tpu.wait_indirect_dma semaphore(%run_scoped3A_86 : memref<!tpu.dma_semaphore, #tpu.memory_space<semaphore_mem>>) src(%arg7 : memref<40x144xf32, #tpu.memory_space<vmem>>) dst(%dma_wait3A_98 : memref<10240x144xf32, #tpu.memory_space<vmem_shared>>)
      tpu.yield
    }) : () -> ()
    %dma_wait3A_73 = arith.constant 249 : i32
    %dma_wait3A_74 = arith.constant 0 : i32
    %dma_wait3A_75 = tpu.memref_slice %arg5[%dma_wait3A_73, %dma_wait3A_74] : memref<250x40xi32, #tpu.memory_space<vmem>> -> memref<1x40xi32, #tpu.memory_space<vmem>>
    %dma_wait3A_76 = tpu.memref_squeeze %dma_wait3A_75 : memref<1x40xi32, #tpu.memory_space<vmem>> -> memref<40xi32, #tpu.memory_space<vmem>>
    %dma_wait3A_77 = arith.constant 0 : i32
    %dma_wait3A_78 = arith.constant 0 : i32
    %dma_wait3A_79 = tpu.memref_slice %arg2[%dma_wait3A_77, %dma_wait3A_78] : memref<10000x144xf32, #tpu.memory_space<hbm>> -> memref<10000x144xf32, #tpu.memory_space<hbm>>
    tpu.wait_indirect_dma semaphore(%arg12 : memref<!tpu.dma_semaphore, #tpu.memory_space<semaphore_mem>>) src(%dma_wait3A_79 : memref<10000x144xf32, #tpu.memory_space<hbm>>) dst(%arg8 : memref<40x144xf32, #tpu.memory_space<vmem>>)
    %run_scoped3A_80 = arith.constant 249 : i32
    "tpu.region"() ({
      %run_scoped3A_86 = tpu.sem_alloc : memref<!tpu.dma_semaphore, #tpu.memory_space<semaphore_mem>>
      %dma_start3A_87 = arith.constant 0 : i32
      %dma_start3A_88 = tpu.memref_slice %arg6[%run_scoped3A_80, %dma_start3A_87] : memref<250x40xi32, #tpu.memory_space<vmem>> -> memref<1x40xi32, #tpu.memory_space<vmem>>
      %dma_start3A_89 = tpu.memref_squeeze %dma_start3A_88 : memref<1x40xi32, #tpu.memory_space<vmem>> -> memref<40xi32, #tpu.memory_space<vmem>>
      %dma_start3A_90 = arith.constant 0 : i32
      %dma_start3A_91 = arith.constant 0 : i32
      %dma_start3A_92 = tpu.memref_slice %arg10[%dma_start3A_90, %dma_start3A_91] : memref<10240x144xf32, #tpu.memory_space<vmem_shared>> -> memref<10240x144xf32, #tpu.memory_space<vmem_shared>>
      tpu.enqueue_indirect_dma source(%arg8 : memref<40x144xf32, #tpu.memory_space<vmem>>) target(%dma_start3A_92 : memref<10240x144xf32, #tpu.memory_space<vmem_shared>>) offsets(%dma_start3A_89 : memref<40xi32, #tpu.memory_space<vmem>>) semaphore(%run_scoped3A_86 : memref<!tpu.dma_semaphore, #tpu.memory_space<semaphore_mem>>) {add = true}
      %dma_wait3A_93 = arith.constant 0 : i32
      %dma_wait3A_94 = tpu.memref_slice %arg6[%run_scoped3A_80, %dma_wait3A_93] : memref<250x40xi32, #tpu.memory_space<vmem>> -> memref<1x40xi32, #tpu.memory_space<vmem>>
      %dma_wait3A_95 = tpu.memref_squeeze %dma_wait3A_94 : memref<1x40xi32, #tpu.memory_space<vmem>> -> memref<40xi32, #tpu.memory_space<vmem>>
      %dma_wait3A_96 = arith.constant 0 : i32
      %dma_wait3A_97 = arith.constant 0 : i32
      %dma_wait3A_98 = tpu.memref_slice %arg10[%dma_wait3A_96, %dma_wait3A_97] : memref<10240x144xf32, #tpu.memory_space<vmem_shared>> -> memref<10240x144xf32, #tpu.memory_space<vmem_shared>>
      tpu.wait_indirect_dma semaphore(%run_scoped3A_86 : memref<!tpu.dma_semaphore, #tpu.memory_space<semaphore_mem>>) src(%arg8 : memref<40x144xf32, #tpu.memory_space<vmem>>) dst(%dma_wait3A_98 : memref<10240x144xf32, #tpu.memory_space<vmem_shared>>)
      tpu.yield
    }) : () -> ()
    %barrier3A_81 = arith.constant 0 : index
    tpu.barrier barrier_id(%barrier3A_81)
    %mul3A_82 = arith.constant 640 : i32
    %mul3A_83 = arith.muli %arg1, %mul3A_82 : i32
    %mul3A_84 = arith.constant 640 : i32
    %mul3A_85 = arith.muli %arg1, %mul3A_84 : i32
    "tpu.region"() ({
      %run_scoped3A_86 = tpu.sem_alloc : memref<!tpu.dma_semaphore, #tpu.memory_space<semaphore_mem>>
      %dma_start3A_87 = arith.constant 0 : i32
      %dma_start3A_88 = tpu.memref_slice %arg4[%arg0, %mul3A_85, %dma_start3A_87] : memref<2x10240x144xf32, #tpu.memory_space<hbm>> -> memref<1x640x144xf32, #tpu.memory_space<hbm>>
      %dma_start3A_89 = tpu.memref_squeeze %dma_start3A_88 : memref<1x640x144xf32, #tpu.memory_space<hbm>> -> memref<640x144xf32, #tpu.memory_space<hbm>>
      %dma_start3A_90 = arith.constant 0 : i32
      %dma_start3A_91 = tpu.memref_slice %arg10[%mul3A_83, %dma_start3A_90] : memref<10240x144xf32, #tpu.memory_space<vmem_shared>> -> memref<640x144xf32, #tpu.memory_space<vmem_shared>>
      tpu.enqueue_dma source(%dma_start3A_91 : memref<640x144xf32, #tpu.memory_space<vmem_shared>>) target(%dma_start3A_89 : memref<640x144xf32, #tpu.memory_space<hbm>>) target_semaphore(%run_scoped3A_86 : memref<!tpu.dma_semaphore, #tpu.memory_space<semaphore_mem>>)
      %dma_wait3A_92 = arith.constant 0 : i32
      %dma_wait3A_93 = tpu.memref_slice %arg4[%arg0, %mul3A_85, %dma_wait3A_92] : memref<2x10240x144xf32, #tpu.memory_space<hbm>> -> memref<1x640x144xf32, #tpu.memory_space<hbm>>
      %dma_wait3A_94 = tpu.memref_squeeze %dma_wait3A_93 : memref<1x640x144xf32, #tpu.memory_space<hbm>> -> memref<640x144xf32, #tpu.memory_space<hbm>>
      %dma_wait3A_95 = arith.constant 0 : i32
      %dma_wait3A_96 = tpu.memref_slice %arg10[%mul3A_83, %dma_wait3A_95] : memref<10240x144xf32, #tpu.memory_space<vmem_shared>> -> memref<640x144xf32, #tpu.memory_space<vmem_shared>>
      tpu.wait_dma2 semaphore(%run_scoped3A_86 : memref<!tpu.dma_semaphore, #tpu.memory_space<semaphore_mem>>) src(%dma_wait3A_96 : memref<640x144xf32, #tpu.memory_space<vmem_shared>>) dst(%dma_wait3A_94 : memref<640x144xf32, #tpu.memory_space<hbm>>)
      tpu.yield
    }) : () -> ()
    return
  }
}

</mosaic_0001>

<sc_bundles>
// kernel: _sc_scatter.3.cloned.1.call-start
scs
__scs_entry_jumppad:
0x0: {  	(pc) =	sbr.rel $0x88, $3  }
0x1: {  	(tag) =	ssettag $0x0;
	lr =	simm.s32 $0x1  }
0x2: {  	[smem:$0x3F9F] =	sst lr;
	_ =	strace $0xD0000000  }
0x3: {  	_ = 	snop  }
0x4: {  	_ = 	snop  }
0x5: {  	_ = 	snop  }
0x6: {  	_ = 	snop  }
0x7: {  	_ = 	snop  }
__scs_overlays_trampoline_lowered:
0x8: {  	[smem:$0x3FAE] =	sst s0  }
0x9: {  	[smem:$0x3FAF] =	sst s1  }
0xa: {  	[smem:$0x3FB0] =	sst s2  }
0xb: {  	[smem:$0x3FB1] =	sst s3  }
0xc: {  	[smem:$0x3FB2] =	sst s4  }
0xd: {  	[smem:$0x3FB3] =	sst s5  }
0xe: {  	[smem:$0x3FB4] =	sst s6  }
0xf: {  	[smem:$0x3FB5] =	sst s7  }
0x10: {  	[smem:$0x3FB6] =	sst s8  }
0x11: {  	[smem:$0x3FB7] =	sst s9;
	s0 =	simm.s32 @!p0 $0x0  }
0x12: {  	s1 =	sld [smem:$0x3F9D];
	s0 =	simm.s32 @p0 $0x1  }
0x13: {  	[smem:$0x3FB8] =	sst s0;
	s0 =	simm.s32 @!p1 $0x0  }
0x14: {  	s2 =	sld [smem:$0x3F9C];
	s0 =	simm.s32 @p1 $0x1  }
0x15: {  	[smem:$0x3FB9] =	sst s0;
	s0 =	simm.s32 @!p2 $0x0  }
0x16: {  	s3 =	sld [smem:$0x3FDB];
	s0 =	simm.s32 @p2 $0x1  }
0x17: {  	s4 =	simm.s32 $0x1BF5;
	[smem:$0x3FBB] =	sst s0  }
0x18: {  	s0 =	sld [smem:$0x3F9E];
	_ =	swait.ge [sflag:s4], $0x0  }
0x19: {  	s7 =	sld [smem:$0x3F9F]  }
0x1a: {  	s8 =	sadd.s32 $0xFFFFE003, lr  }
0x1b: {  	s9 =	sadd.s32 $0xFFFFFEF7, lr;
	s5 =	simm.s32 $0xFFFFFFFF;
	p2 =	slt.u32 s8, $0xFFFFF086  }
0x1c: {  	p1 =	slt.u32 s9, $0xF7A;
	s5 =	simm.s32 @!p2 $0x0  }
0x1d: {  	s5 =	simm.s32 @p1 $0x1;
	p0 =	seq.s32 s7, s2  }
0x1e: {  	s7 =	smul.u32 @!p0 $0xF7A, s2;
	p2 =	seq.s32 @!p0 s5, $0x0  }
0x1f: {  	s9 =	smul.u32 $0xF7A, s1;
	s8 =	simm.s32 @!p0 $0x1BF5;
	p2 =	por !p2, p0  }
0x20: {  	[sflag:s8] =	ssyncset.s32 @!p0 $0xFFFFF086;
	s6 =	sadd.s32 @!p0 s3, s7;
	s7 =	simm.s32 @!p0 $0x108  }
0x21: {  	s3 =	sadd.s32 s3, s9;
	s6 =	sadd.s32 @!p0 $0x88, s6;
	s7 =	simm.s32 @p2 $0x1082  }
0x22: {  	[simem:s7], [sflag:s8] =	dma.local @!p0 [hbm:s6], $0xF7A  }
0x23: {  	s9 =	sor.u32 $0xD0000000, s2;
	s6 =	simm.s32 $0x108;
	_ =	swait.ge @!p0 [sflag:s8], $0x0  }
0x24: {  	s3 =	sadd.s32 $0x88, s3;
	s6 =	simm.s32 @!p1 $0x1082;
	[sflag:s4] =	ssyncset.s32 $0xFFFFF086  }
0x25: {  	[simem:s6], [sflag:s4] =	dma.local [hbm:s3], $0xF7A  }
0x26: {  	[smem:$0x3F9F] =	sst s1;
	(tag) =	ssettag s2;
	_ =	strace s9  }
0x27: {  	s1 =	sld [smem:$0x3FAF]  }
0x28: {  	s2 =	sld [smem:$0x3FB0]  }
0x29: {  	s4 =	sld [smem:$0x3FB2]  }
0x2a: {  	p0 =	seq.s32 s5, $0x0;
	s5 =	sld [smem:$0x3FB3]  }
0x2b: {  	s6 =	sld [smem:$0x3FB4]  }
0x2c: {  	s7 =	sld [smem:$0x3FB5]  }
0x2d: {  	s3 =	simm.s32 $0x108;
	s8 =	sld [smem:$0x3FB6]  }
0x2e: {  	s3 =	simm.s32 @!p0 $0x1082;
	s9 =	sld [smem:$0x3FB7]  }
0x2f: {  	lr =	sadd.s32 s0, s3;
	s0 =	sld [smem:$0x3FAE]  }
0x30: {  	s3 =	sld [smem:$0x3FB1]  }
0x31: {  	[smem:$0x3FBA] =	sst s10  }
0x32: {  	s10 =	sld [smem:$0x3FB8];
	_ =	sdelay $0x3  }
0x33: {  	p0 =	seq.s32 s10, $0x1;
	s10 =	sld [smem:$0x3FBA];
	_ =	sdelay $0x3  }
0x34: {  	[smem:$0x3FBA] =	sst s10  }
0x35: {  	s10 =	sld [smem:$0x3FB9];
	_ =	sdelay $0x3  }
0x36: {  	p1 =	seq.s32 s10, $0x1;
	s10 =	sld [smem:$0x3FBA];
	_ =	sdelay $0x3  }
0x37: {  	[smem:$0x3FBA] =	sst s10  }
0x38: {  	s10 =	sld [smem:$0x3FBB]  }
0x39: {  	_ = 	snop;
	(pc) =	sbr.ind lr, $3  }
0x3a: {  	_ = 	snop  }
0x3b: {  	_ = 	snop  }
0x3c: {  	p2 =	seq.s32 s10, $0x1;
	s10 =	sld [smem:$0x3FBA]  }
0x3d: {  	_ =	shalt  }
0x3e: {  	_ =	shalt  }
0x3f: {  	_ =	shalt  }
0x40: {  	_ =	shalt  }
0x41: {  	_ =	shalt  }
0x42: {  	_ =	shalt  }
0x43: {  	_ =	shalt  }
0x44: {  	_ =	shalt  }
0x45: {  	_ =	shalt  }
0x46: {  	_ =	shalt  }
0x47: {  	_ =	shalt  }
0x48: {  	_ =	shalt  }
0x49: {  	_ =	shalt  }
0x4a: {  	_ =	shalt  }
0x4b: {  	_ =	shalt  }
0x4c: {  	_ =	shalt  }
0x4d: {  	_ =	shalt  }
0x4e: {  	_ =	shalt  }
0x4f: {  	_ =	shalt  }
0x50: {  	_ =	shalt  }
0x51: {  	_ =	shalt  }
0x52: {  	_ =	shalt  }
0x53: {  	_ =	shalt  }
0x54: {  	_ =	shalt  }
0x55: {  	_ =	shalt  }
0x56: {  	_ =	shalt  }
0x57: {  	_ =	shalt  }
0x58: {  	_ =	shalt  }
0x59: {  	_ =	shalt  }
0x5a: {  	_ =	shalt  }
0x5b: {  	_ =	shalt  }
0x5c: {  	_ =	shalt  }
0x5d: {  	_ =	shalt  }
0x5e: {  	_ =	shalt  }
0x5f: {  	_ =	shalt  }
0x60: {  	_ =	shalt  }
0x61: {  	_ =	shalt  }
0x62: {  	_ =	shalt  }
0x63: {  	_ =	shalt  }
0x64: {  	_ =	shalt  }
0x65: {  	_ =	shalt  }
0x66: {  	_ =	shalt  }
0x67: {  	_ =	shalt  }
0x68: {  	_ =	shalt  }
0x69: {  	_ =	shalt  }
0x6a: {  	_ =	shalt  }
0x6b: {  	_ =	shalt  }
0x6c: {  	_ =	shalt  }
0x6d: {  	_ =	shalt  }
0x6e: {  	_ =	shalt  }
0x6f: {  	_ =	shalt  }
0x70: {  	_ =	shalt  }
0x71: {  	_ =	shalt  }
0x72: {  	_ =	shalt  }
0x73: {  	_ =	shalt  }
0x74: {  	_ =	shalt  }
0x75: {  	_ =	shalt  }
0x76: {  	_ =	shalt  }
0x77: {  	_ =	shalt  }
0x78: {  	_ =	shalt  }
0x79: {  	_ =	shalt  }
0x7a: {  	_ =	shalt  }
0x7b: {  	_ =	shalt  }
0x7c: {  	_ =	shalt  }
0x7d: {  	_ =	shalt  }
0x7e: {  	_ =	shalt  }
0x7f: {  	_ =	shalt  }
0x80: {  	_ =	shalt  }
0x81: {  	_ =	shalt  }
0x82: {  	_ =	shalt  }
0x83: {  	_ =	shalt  }
0x84: {  	_ =	shalt  }
0x85: {  	_ =	shalt  }
0x86: {  	_ =	shalt  }
0x87: {  	_ =	shalt  }
.Lfunc_end0:
.L_simem_size_0:
called_computation_lowered:
.L_overlay_start_0:
0x88: {  	s2 =	sld [smem:$0x3FD9]  }
0x89: {  	s3 =	sld [smem:$0x3FFE];
	_ =	sdelay $0x1  }
0x8a: {  	s1 =	srdreg.scid  }
0x8b: {  	s0 =	sand.u32 $0x1, s1  }
0x8c: {  	s17 =	sshll.u32 s0, $0xA;
	s2 =	sadd.s32 s3, s2  }
0x8d: {  	s2 =	sadd.s32 s2, s17  }
0x8e: {  	[smem:$0x3FC6] =	sst s2  }
0x8f: {  	_ = 	snop  }
0x90: {  	s2 =	sld [smem:$0x3FD0];
	(tm) =	ssettm $0x1  }
0x91: {  	s18 =	sld [smem:$0x3FFB];
	_ =	sdelay $0x3  }
0x92: {  	_ =	strace s18  }
0x93: {  	s3 =	sld [smem:$0x3FFC];
	_ =	sdelay $0x3  }
0x94: {  	_ =	strace s3  }
0x95: {  	s3 =	sld [smem:$0x3FFD];
	_ =	sdelay $0x3  }
0x96: {  	_ =	strace s3  }
0x97: {  	_ =	strace $0x8FFFFFFF  }
0x98: {  	s19 =	sld [smem:$0x3FDB];
	_ =	sdelay $0x1  }
0x99: {  	s4 =	simm.s32 $_scs_section_size  }
0x9a: {  	s5 =	simm.s32 $_size__tile_overlayer_lowered;
	s6 =	simm.s32 $_tile_overlayer_lowered  }
0x9b: {  	s22 =	simm.s32 $0x1BFF;
	s21 =	sshll.u32 s6, $0x1;
	s3 =	sadd.s32 s4, s19  }
0x9c: {  	s7 =	simm.s32 $0x0;
	s20 =	sshll.u32 s5, $0x1;
	s5 =	sadd.s32 s21, s3  }
0x9d: {  	[timem:s7], [sflag:s22] =	dma.local [hbm:s5], s20  }
0x9e: {  	_ =	swait.ge [sflag:s22], s20  }
0x9f: {  	s4 =	ssub.s32 $0x0, s20;
	[sflag:s22] =	ssyncset.done $0x0  }
0xa0: {  	[sflag:s22] =	ssyncadd.s32 s4;
	_ =	sdelay $0x1  }
0xa1: {  	s23 =	simm.s32 $0x1B8B  }
0xa2: {  	_ =	swait.ge [sflag:s23], $0x1  }
0xa3: {  	[sflag:s23] =	ssyncset.done $0x0  }
0xa4: {  	s25 =	simm.s32 $0x1B8E;
	s24 =	sld [smem:$0x3FFE];
	[sflag:s23] =	ssyncadd.s32 $0xFFFFFFFF  }
0xa5: {  	s26 =	simm.s32 $execute0_lowered;
	[smem:$0x3FD2] =	sst s25  }
0xa6: {  	s5 =	sshll.u32 s26, $0x1;
	_ =	strace $0x80000046;
	[dreg:$0x1] =	wrdreg $0xFFFFFFFF  }
0xa7: {  	s28 =	simm.s32 $_size_execute0_lowered;
	s3 =	sadd.s32 s3, s5;
	[dreg:$0x0] =	wrdreg $0x0  }
0xa8: {  	s5 =	sshll.u32 s28, $0x1;
	[dreg:$0x2] =	wrdreg s3  }
0xa9: {  	[dreg:$0x3] =	wrdreg s5  }
0xaa: {  	[dreg:$0x4] =	wrdreg $0xC0  }
0xab: {  	_ =	task [dreg:s7], $0x5FFFF  }
0xac: {  	[dreg:$0x1] =	wrdreg $0xFFFFFFFF  }
0xad: {  	[dreg:$0x0] =	wrdreg $0x60  }
0xae: {  	[dreg:$0x2] =	wrdreg s24  }
0xaf: {  	[dreg:$0x3] =	wrdreg s2  }
0xb0: {  	[dreg:$0x4] =	wrdreg $0x7FA00  }
0xb1: {  	[dreg:$0x5] =	wrdreg $0x9  }
0xb2: {  	_ =	task.clear_ibuf [dreg:s7], $0x6FFFF;
	_ =	strace $0x90000046  }
0xb3: {  	s29 =	simm.s32 $0x9;
	_ =	strace $0x80000048  }
0xb4: {  	_ =	swait.ge [sflag:s29], $0x1  }
0xb5: {  	[sflag:s29] =	ssyncadd.s32 $0xFFFFFFFF  }
0xb6: {  	_ =	strace $0x90000048  }
0xb7: {  	_ =	sfence  }
0xb8: {  	s30 =	sld [smem:$0x0];
	_ =	sdelay $0x2  }
0xb9: {  	s31 =	sshll.u32 s1, $0xD;
	s1 =	sshrl.u32 s1, $0x2  }
0xba: {  	s3 =	sand.u32 $0x4000, s31;
	s1 =	sadd.s32 s1, s30  }
0xbb: {  	s0 =	sor.u32 s3, s0;
	s1 =	sshll.u32 s1, $0x11  }
0xbc: {  	s0 =	sor.u32 s1, s0  }
0xbd: {  	s0 =	sadd.s32 $0x8F2B, s0  }
0xbe: {  	[sflag:s0] =	ssyncadd.remote.s32 $0x1  }
0xbf: {  	_ =	sfence.sel $0xFFFF  }
0xc0: {  	[dreg:$0x0] =	wrdreg $0xFFFFFFFF;
	(pc) =	sbr.abs _section_cstart, $3  }
0xc1: {  	[dreg:$0x1] =	wrdreg $0xFFFFFFFF  }
0xc2: {  	_ =	task.clear_ibuf [dreg:s7], $0x2FFFF;
	_ =	strace $0x9FFFFFFF  }
0xc3: {  	(tm) =	ssettm $0x7FFFFFFF  }
tec
execute0_lowered:
.L_overlay_start_1:
0x0: {  	(tag) =	ssettag $0x1  }
0x1: {  	s5 =	rddreg [dreg:$0x0]  }
0x2: {  	s1 =	srdreg.scid;
	s7 =	rddreg [dreg:$0x1]  }
0x3: {  	s0 =	stileid.u32;
	s2 =	rddreg [dreg:$0x2];
	s3 =	simm.s32 $0x0  }
0x4: {  	s13 =	simm.s32 $0x1;
	s14 =	simm.s32 $0x2;
	s15 =	simm.s32 $0x28  }
0x5: {  	s16 =	simm.s32 $0x4E20;
	s17 =	simm.s32 $0x64A0;
	s18 =	simm.s32 $0x4DD0  }
0x6: {  	s19 =	simm.s32 $0x4DF8;
	s22 =	simm.s32 $0x0;
	s6 =	sand.u32 $0x1, s1  }
0x7: {  	s29 =	sshll.u32 s0, $0x1;
	s1 =	rddreg [dreg:$0x3];
	s10 =	smul.u32 $0x16800, s0  }
0x8: {  	[smem:$0x7FF] =	sst s3;
	s12 =	smul.u32 $0x5A000, s0;
	s20 =	sshll.u32 s0, $0x6  }
0x9: {  	s4 =	sor.u32 s6, s29;
	s9 =	smul.u32 $0x168000, s6;
	_ =	strace $0x80000047  }
0xa: {  	s6 =	ssub.s32 $0x2, s6;
	s20 =	sor.u32 $0x1C03, s20;
	s8 =	smul.u32 $0x2710, s4  }
0xb: {  	s4 =	sadd.s32 $0x14600, s5;
	s30 =	sshrl.u32 s6, $0x1;
	s21 =	sadd.s32 s10, s2  }
0xc: {  	s31 =	sshrl.u32 s12, $0x2;
	s12 =	simm.s32 $0x3;
	s9 =	sadd.s32 s10, s9  }
0xd: {  	s11 =	ssub.s32 s6, s30;
	s10 =	simm.s32 $0x2710;
	s8 =	sshrl.u32 s8, $0x3  }
0xe: {  	s21 =	sshrl.u32 s21, $0x3;
	s9 =	sshrl.u32 s9, $0x3;
	s8 =	sadd.s32 s8, s5  }
0xf: {  	s7 =	sadd.s32 s7, s9;
	s9 =	sadd.s32 s31, s2;
	s5 =	sadd.s32 $0xC00, s8  }
0x10: {  	v0 =	vimm.f32 $0.0e+00;
	s6 =	sadd.s32 $0xA840, s8;
	s8 =	smax.u32 s11, $0x1;
	s11 =	simm.s32 $0x7B20  }
.LBB2_1:
0x11: {  	[tilespmem:s3], [sflag:$0x1] =	stream.linear.gather [hbm4b:s5+s3], $0x2710, $0x38;
	[tilespmem:$0x1E7A0] =	vst v63  }
0x12: {  	_ = 	snop  }
0x13: {  	[tilespmem:s10], [sflag:$0x2] =	stream.linear.gather [hbm4b:s6+s3], $0x2710, $0x38;
	[tilespmem:$0x1E7A0] =	vst v63  }
0x14: {  	[tilespmem:$0x7B20] =	vst v0  }
0x15: {  	[tilespmem:$0x7B30] =	vst v0  }
0x16: {  	[tilespmem:$0x7B40] =	vst v0  }
0x17: {  	[tilespmem:$0x7B50] =	vst v0  }
0x18: {  	[tilespmem:$0x7B60] =	vst v0  }
0x19: {  	[tilespmem:$0x7B70] =	vst v0  }
0x1a: {  	[tilespmem:$0x7B80] =	vst v0  }
0x1b: {  	[tilespmem:$0x7B90] =	vst v0  }
0x1c: {  	[tilespmem:$0x7BA0] =	vst v0  }
0x1d: {  	[tilespmem:$0x7BB0] =	vst v0  }
0x1e: {  	[tilespmem:$0x7BC0] =	vst v0  }
0x1f: {  	[tilespmem:$0x7BD0] =	vst v0  }
0x20: {  	[tilespmem:$0x7BE0] =	vst v0  }
0x21: {  	[tilespmem:$0x7BF0] =	vst v0  }
0x22: {  	[tilespmem:$0x7C00] =	vst v0  }
0x23: {  	[tilespmem:$0x7C10] =	vst v0  }
0x24: {  	[tilespmem:$0x7C20] =	vst v0  }
0x25: {  	[tilespmem:$0x7C30] =	vst v0  }
0x26: {  	[tilespmem:$0x7C40] =	vst v0  }
0x27: {  	[tilespmem:$0x7C50] =	vst v0  }
0x28: {  	[tilespmem:$0x7C60] =	vst v0  }
0x29: {  	[tilespmem:$0x7C70] =	vst v0  }
0x2a: {  	[tilespmem:$0x7C80] =	vst v0  }
0x2b: {  	[tilespmem:$0x7C90] =	vst v0  }
0x2c: {  	[tilespmem:$0x7CA0] =	vst v0  }
0x2d: {  	[tilespmem:$0x7CB0] =	vst v0  }
0x2e: {  	[tilespmem:$0x7CC0] =	vst v0  }
0x2f: {  	[tilespmem:$0x7CD0] =	vst v0  }
0x30: {  	[tilespmem:$0x7CE0] =	vst v0  }
0x31: {  	[tilespmem:$0x7CF0] =	vst v0  }
0x32: {  	[tilespmem:$0x7D00] =	vst v0  }
0x33: {  	[tilespmem:$0x7D10] =	vst v0  }
0x34: {  	[tilespmem:$0x7D20] =	vst v0  }
0x35: {  	[tilespmem:$0x7D30] =	vst v0  }
0x36: {  	[tilespmem:$0x7D40] =	vst v0  }
0x37: {  	[tilespmem:$0x7D50] =	vst v0  }
0x38: {  	[tilespmem:$0x7D60] =	vst v0  }
0x39: {  	[tilespmem:$0x7D70] =	vst v0  }
0x3a: {  	[tilespmem:$0x7D80] =	vst v0  }
0x3b: {  	[tilespmem:$0x7D90] =	vst v0  }
0x3c: {  	[tilespmem:$0x7DA0] =	vst v0  }
0x3d: {  	[tilespmem:$0x7DB0] =	vst v0  }
0x3e: {  	[tilespmem:$0x7DC0] =	vst v0  }
0x3f: {  	[tilespmem:$0x7DD0] =	vst v0  }
0x40: {  	[tilespmem:$0x7DE0] =	vst v0  }
0x41: {  	[tilespmem:$0x7DF0] =	vst v0  }
0x42: {  	[tilespmem:$0x7E00] =	vst v0  }
0x43: {  	[tilespmem:$0x7E10] =	vst v0  }
0x44: {  	[tilespmem:$0x7E20] =	vst v0  }
0x45: {  	[tilespmem:$0x7E30] =	vst v0  }
0x46: {  	[tilespmem:$0x7E40] =	vst v0  }
0x47: {  	[tilespmem:$0x7E50] =	vst v0  }
0x48: {  	[tilespmem:$0x7E60] =	vst v0  }
0x49: {  	[tilespmem:$0x7E70] =	vst v0  }
0x4a: {  	[tilespmem:$0x7E80] =	vst v0  }
0x4b: {  	[tilespmem:$0x7E90] =	vst v0  }
0x4c: {  	[tilespmem:$0x7EA0] =	vst v0  }
0x4d: {  	[tilespmem:$0x7EB0] =	vst v0  }
0x4e: {  	[tilespmem:$0x7EC0] =	vst v0  }
0x4f: {  	[tilespmem:$0x7ED0] =	vst v0  }
0x50: {  	[tilespmem:$0x7EE0] =	vst v0  }
0x51: {  	[tilespmem:$0x7EF0] =	vst v0  }
0x52: {  	[tilespmem:$0x7F00] =	vst v0  }
0x53: {  	[tilespmem:$0x7F10] =	vst v0  }
0x54: {  	[tilespmem:$0x7F20] =	vst v0  }
0x55: {  	[tilespmem:$0x7F30] =	vst v0  }
0x56: {  	[tilespmem:$0x7F40] =	vst v0  }
0x57: {  	[tilespmem:$0x7F50] =	vst v0  }
0x58: {  	[tilespmem:$0x7F60] =	vst v0  }
0x59: {  	[tilespmem:$0x7F70] =	vst v0  }
0x5a: {  	[tilespmem:$0x7F80] =	vst v0  }
0x5b: {  	s23 =	sadd.s32 $0x0, s9;
	[tilespmem:$0x7F90] =	vst v0  }
0x5c: {  	[spmem:s23] =	stream.linear.scatter [tilespmem:s11], [sflag:$0x3], $0x480, $0x38;
	[tilespmem:$0x1E7A0] =	vst v63  }
0x5d: {  	s23 =	simm.s32 $0x1200;
	_ =	swait.ge [sflag:s12], $0x480  }
.LBB2_2:
0x5e: {  	s24 =	sshra.s32 s23, $0x2;
	[sflag:s12] =	ssyncset.done $0x0;
	p0 =	sne.s32 s23, $0x58E00  }
.Ltmp0:
0x5f: {  	s24 =	sadd.s32 s24, s9;
	[sflag:s12] =	ssyncadd.s32 $0xFFFFFB80;
	(pc) =	sbr.rel @p0 .LBB2_2-.Ltmp0, $3  }
0x60: {  	[spmem:s24] =	stream.linear.scatter [tilespmem:s11], [sflag:$0x3], $0x480, $0x38;
	[tilespmem:$0x1E7A0] =	vst v63  }
0x61: {  	s23 =	sadd.s32 $0x1200, s23;
	_ =	sdelay $0x1  }
0x62: {  	_ =	swait.ge [sflag:s12], $0x480  }
0x63: {  	[sflag:s12] =	ssyncset.done $0x0  }
0x64: {  	[sflag:s12] =	ssyncadd.s32 $0xFFFFFB80  }
0x65: {  	_ =	swait.ge [sflag:s13], $0x2710  }
0x66: {  	[sflag:s13] =	ssyncset.done $0x0  }
0x67: {  	[sflag:s13] =	ssyncadd.s32 $0xFFFFD8F0  }
0x68: {  	_ =	swait.ge [sflag:s14], $0x2710  }
0x69: {  	[sflag:s14] =	ssyncset.done $0x0  }
0x6a: {  	[sflag:s14] =	ssyncadd.s32 $0xFFFFD8F0  }
0x6b: {  	s23 =	simm.s32 $0x0;
	[bflag:$0x0] =	sbarrier.arrive $0xFFFF  }
0x6c: {  	[tilespmem:s16], [sflag:$0x1] =	stream.indirect.gather [hbm4b:s4+s15], $0x90, s23, s15, $0xb8;
	[tilespmem:$0x1E7A0] =	vst v63  }
0x6d: {  	_ = 	snop  }
0x6e: {  	[tilespmem:s17], [sflag:$0x2] =	stream.indirect.gather [hbm4b:s4+s15], $0x90, s15, s15, $0xb8;
	[tilespmem:$0x1E7A0] =	vst v63  }
0x6f: {  	_ =	swait.ge [sflag:s13], $0x1680  }
0x70: {  	[sflag:s13] =	ssyncset.done $0x0  }
0x71: {  	s29 =	simm.s32 $0x2710;
	[sflag:s13] =	ssyncadd.s32 $0xFFFFE980  }
0x72: {  	[spmem:s2] =	stream.indirect.scatter.add.f32 [tilespmem:s16], [sflag:$0x3], $0x90, s29, s15, $0xb8;
	[tilespmem:$0x1E7A0] =	vst v63  }
0x73: {  	_ =	swait.ge [sflag:s12], $0x1680  }
0x74: {  	[sflag:s12] =	ssyncset.done $0x0  }
0x75: {  	s30 =	simm.s32 $0x50;
	[sflag:s12] =	ssyncadd.s32 $0xFFFFE980  }
0x76: {  	[tilespmem:s16], [sflag:$0x1] =	stream.indirect.gather [hbm4b:s4+s15], $0x90, s30, s15, $0xb8;
	[tilespmem:$0x1E7A0] =	vst v63  }
0x77: {  	_ =	swait.ge [sflag:s14], $0x1680  }
0x78: {  	[sflag:s14] =	ssyncset.done $0x0  }
0x79: {  	s31 =	simm.s32 $0x2738;
	[sflag:s14] =	ssyncadd.s32 $0xFFFFE980  }
0x7a: {  	[spmem:s2] =	stream.indirect.scatter.add.f32 [tilespmem:s17], [sflag:$0x3], $0x90, s31, s15, $0xb8;
	[tilespmem:$0x1E7A0] =	vst v63  }
0x7b: {  	_ =	swait.ge [sflag:s12], $0x1680  }
0x7c: {  	[sflag:s12] =	ssyncset.done $0x0  }
0x7d: {  	s24 =	simm.s32 $0x78;
	s23 =	simm.s32 $0x140;
	[sflag:s12] =	ssyncadd.s32 $0xFFFFE980  }
.LBB2_4:
0x7e: {  	[tilespmem:s17], [sflag:$0x2] =	stream.indirect.gather [hbm4b:s4+s15], $0x90, s24, s15, $0xb8;
	[tilespmem:$0x1E7A0] =	vst v63  }
0x7f: {  	s24 =	smov.u32 s23  }
0x80: {  	p0 =	sne.s32 s23, $0x99C0;
	s23 =	sadd.s32 $0x140, s23;
	_ =	swait.ge [sflag:s13], $0x1680  }
0x81: {  	s24 =	sshra.s32 s24, $0x2;
	[sflag:s13] =	ssyncset.done $0x0  }
0x82: {  	s25 =	sadd.s32 $0x2710, s24;
	[sflag:s13] =	ssyncadd.s32 $0xFFFFE980  }
0x83: {  	[spmem:s2] =	stream.indirect.scatter.add.f32 [tilespmem:s16], [sflag:$0x3], $0x90, s25, s15, $0xb8;
	[tilespmem:$0x1E7A0] =	vst v63  }
0x84: {  	_ =	swait.ge [sflag:s12], $0x1680  }
0x85: {  	[sflag:s12] =	ssyncset.done $0x0  }
0x86: {  	s25 =	sadd.s32 $0x50, s24;
	[sflag:s12] =	ssyncadd.s32 $0xFFFFE980  }
0x87: {  	[tilespmem:s16], [sflag:$0x1] =	stream.indirect.gather [hbm4b:s4+s15], $0x90, s25, s15, $0xb8;
	[tilespmem:$0x1E7A0] =	vst v63  }
0x88: {  	_ =	swait.ge [sflag:s14], $0x1680  }
0x89: {  	[sflag:s14] =	ssyncset.done $0x0  }
.Ltmp1:
0x8a: {  	s25 =	sadd.s32 $0x2738, s24;
	[sflag:s14] =	ssyncadd.s32 $0xFFFFE980;
	(pc) =	sbr.rel @p0 .LBB2_4-.Ltmp1, $4  }
0x8b: {  	[spmem:s2] =	stream.indirect.scatter.add.f32 [tilespmem:s17], [sflag:$0x3], $0x90, s25, s15, $0xb8;
	[tilespmem:$0x1E7A0] =	vst v63  }
0x8c: {  	_ =	swait.ge [sflag:s12], $0x1680  }
0x8d: {  	[sflag:s12] =	ssyncset.done $0x0  }
0x8e: {  	s24 =	sadd.s32 $0x78, s24;
	[sflag:s12] =	ssyncadd.s32 $0xFFFFE980  }
0x8f: {  	[tilespmem:s17], [sflag:$0x2] =	stream.indirect.gather [hbm4b:s4+s15], $0x90, s24, s15, $0xb8;
	[tilespmem:$0x1E7A0] =	vst v63  }
0x90: {  	_ =	swait.ge [sflag:s13], $0x1680  }
0x91: {  	[sflag:s13] =	ssyncset.done $0x0  }
0x92: {  	[sflag:s13] =	ssyncadd.s32 $0xFFFFE980  }
0x93: {  	[spmem:s2] =	stream.indirect.scatter.add.f32 [tilespmem:s16], [sflag:$0x3], $0x90, s18, s15, $0xb8;
	[tilespmem:$0x1E7A0] =	vst v63  }
0x94: {  	_ =	swait.ge [sflag:s12], $0x1680  }
0x95: {  	[sflag:s12] =	ssyncset.done $0x0  }
0x96: {  	[sflag:s12] =	ssyncadd.s32 $0xFFFFE980  }
0x97: {  	_ =	swait.ge [sflag:s14], $0x1680  }
0x98: {  	[sflag:s14] =	ssyncset.done $0x0  }
0x99: {  	[sflag:s14] =	ssyncadd.s32 $0xFFFFE980  }
0x9a: {  	[spmem:s2] =	stream.indirect.scatter.add.f32 [tilespmem:s17], [sflag:$0x3], $0x90, s19, s15, $0xb8;
	[tilespmem:$0x1E7A0] =	vst v63  }
0x9b: {  	_ =	swait.ge [sflag:s12], $0x1680  }
0x9c: {  	s22 =	sadd.s32 $0x1, s22;
	[sflag:s12] =	ssyncset.done $0x0  }
0x9d: {  	p0 =	sne.s32 s22, s8;
	[sflag:s12] =	ssyncadd.s32 $0xFFFFE980  }
.Ltmp2:
0x9e: {  	[bflag:$0x0] =	sbarrier.arrive $0xFFFF;
	(pc) =	sbr.rel @p0 .LBB2_1-.Ltmp2, $4  }
0x9f: {  	[hbm:s7], [sflag:s20] =	dma.local [spmem:s21], $0x2D00  }
0xa0: {  	_ =	swait.ge [sflag:s12], $0x2D00  }
0xa1: {  	[sflag:s12] =	ssyncset.done $0x0  }
0xa2: {  	[sflag:s12] =	ssyncadd.s32 $0xFFFFD300  }
0xa3: {  	_ =	sfence.sel $0x180000  }
0xa4: {  	[bflag:$0x0] =	sbarrier.arrive $0xFFFF  }
0xa5: {  	p0 =	sne.s32 s0, $0x0;
	_ =	strace $0x90000047  }
0xa6: {  	s0 =	sadd.s32 @!p0 $0x100000, s1;
	[bflag:$0x2] =	sbarrier.arrive $0xFFFF  }
0xa7: {  	[sflag:s0] =	ssyncadd.tile.s32 @!p0 $0x1;
	_ =	shalt  }
.Lfunc_end2:
_tile_overlayer_lowered:
.L_overlay_start_2:
0xa8: {  	(tag) =	ssettag $0x2  }
0xa9: {  	s0 =	rddreg [dreg:$0x0];
	s2 =	stileid.u32  }
0xaa: {  	s1 =	rddreg [dreg:$0x1];
	p0 =	sne.s32 s2, $0x0  }
0xab: {  	s3 =	rddreg [dreg:$0x2];
	[bflag:$0x3] =	sbarrier.arrive $0xFFFF;
	s2 =	simm.s32 @!p0 $0x1C03  }
0xac: {  	[timem:s3], [sflag:s2] =	dma.local @!p0 [hbm:s0], s1  }
0xad: {  	s0 =	simm.s32 @!p0 $0x3  }
0xae: {  	_ =	swait.ge @!p0 [sflag:s0], s1  }
0xaf: {  	s1 =	ssub.s32 @!p0 $0x0, s1;
	[sflag:s0] =	ssyncset.done @!p0 $0x0  }
0xb0: {  	[sflag:s0] =	ssyncadd.s32 @!p0 s1  }
0xb1: {  	[bflag:$0x3] =	sbarrier.arrive $0xFFFF  }
0xb2: {  	_ =	shalt  }

</sc_bundles>
